<compile_context>
chip_gen: v7x
topology: tpu7x:2x2x1
jax: 0.10.2.dev20260603
libtpu: 0.0.44.dev20260713+nightly
codegen_flags: <defaults>
</compile_context>

<pallas_src>
import functools

import jax
import jax.numpy as jnp
from jax.experimental import pallas as pl
from jax.experimental.pallas import tpu as pltpu
from jax.experimental.pallas import tpu_sc as plsc

_E = 8
_TOP_K = 2
_T = 32
_H = 2048
_I = 4096
_TS = 512
_NI = _I // _TS

_SC_CORES = 2
_SC_SUBCORES = 16
_SC_LANES = 16



def _make_routing_sc():
    nc, nl = _SC_CORES, _SC_LANES

    mesh = plsc.VectorSubcoreMesh(
        core_axis_name="c", subcore_axis_name="s",
        num_cores=_SC_CORES, num_subcores=_SC_SUBCORES)

    @functools.partial(
        pl.kernel, mesh=mesh,
        out_type=jax.ShapeDtypeStruct((_T * _E,), jnp.float32),
        compiler_params=pltpu.CompilerParams(needs_layout_passes=False),
        scratch_types=[
            pltpu.VMEM((nl,), jnp.int32),
            pltpu.VMEM((nl,), jnp.float32),
            pltpu.VMEM((nl,), jnp.float32),
            pltpu.SemaphoreType.DMA,
        ],
    )
    def routing_sc(idx_hbm, aff_hbm, out_hbm, idx_v, aff_v, w_v, sem):
        tok = jax.lax.axis_index("s") * nc + jax.lax.axis_index("c")

        @pl.when(tok < _T)
        def _():
            chunk = tok // (nl // _TOP_K)
            p0 = _TOP_K * (tok % (nl // _TOP_K))
            r = tok % 2
            c1 = pltpu.async_copy(idx_hbm.at[pl.ds(chunk * nl, nl)], idx_v, sem)
            c2 = pltpu.async_copy(aff_hbm.at[pl.ds((tok - r) * _E, nl)], aff_v, sem)
            c1.wait()
            c2.wait()

            v = idx_v[...]
            lane = jax.lax.iota(jnp.int32, nl)
            eid = lane % _E
            mine = (lane // _E) == r
            i0 = jnp.sum(jnp.where(lane == p0, v, 0))
            i1 = jnp.sum(jnp.where(lane == p0 + 1, v, 0))
            chosen = ((i0 == eid) | (i1 == eid)) & mine
            a = aff_v[...]
            m = jnp.where(chosen, a, 0.0)
            denom = jnp.maximum(jnp.sum(jnp.abs(m)), 1e-12)
            w_v[...] = m / denom
            pltpu.sync_copy(w_v.at[pl.ds(r * _E, _E)],
                            out_hbm.at[pl.ds(tok * _E, _E)])

    return routing_sc


_routing_sc = _make_routing_sc()



def _mlp_kernel(x_ref, gate_ref, up_ref, down_ref, out_ref):
    i = pl.program_id(1)

    x = x_ref[:, :]
    g = jnp.dot(x, gate_ref[0], preferred_element_type=jnp.float32)
    u = jnp.dot(x, up_ref[0], preferred_element_type=jnp.float32)
    inter = (g * jax.nn.sigmoid(g)) * u
    contrib = jnp.dot(inter, down_ref[0], preferred_element_type=jnp.float32)

    @pl.when(i == 0)
    def _init():
        out_ref[0] = contrib

    @pl.when(i > 0)
    def _acc():
        out_ref[0] += contrib



def _combine_kernel(w_ref, y_ref, out_ref):
    w = w_ref[:, :]
    ecol = jax.lax.broadcasted_iota(jnp.int32, w.shape, 1)
    acc = jnp.zeros((_T, _H), jnp.float32)
    for e in range(_E):
        we = jnp.sum(jnp.where(ecol == e, w, 0.0), axis=1, keepdims=True)
        acc += y_ref[e] * we
    out_ref[:, :] = acc


@functools.partial(jax.jit, static_argnames=())
def kernel(hidden_states, expert_affinities, expert_index, gate_up_proj, down_proj):
    idx_flat = expert_index.astype(jnp.int32).reshape(-1)
    w_flat = _routing_sc(idx_flat, expert_affinities.reshape(-1))
    w = w_flat.reshape(_T, _E)

    y = pl.pallas_call(
        _mlp_kernel,
        grid=(_E, _NI),
        in_specs=[
            pl.BlockSpec((_T, _H), lambda e, i: (0, 0)),
            pl.BlockSpec((1, _H, _TS), lambda e, i: (e, 0, i)),
            pl.BlockSpec((1, _H, _TS), lambda e, i: (e, 0, _NI + i)),
            pl.BlockSpec((1, _TS, _H), lambda e, i: (e, i, 0)),
        ],
        out_specs=pl.BlockSpec((1, _T, _H), lambda e, i: (e, 0, 0)),
        out_shape=jax.ShapeDtypeStruct((_E, _T, _H), jnp.float32),
    )(hidden_states, gate_up_proj, gate_up_proj, down_proj)

    return pl.pallas_call(
        _combine_kernel,
        in_specs=[
            pl.BlockSpec((_T, _E), lambda: (0, 0)),
            pl.BlockSpec((_E, _T, _H), lambda: (0, 0, 0)),
        ],
        out_specs=pl.BlockSpec((_T, _H), lambda: (0, 0)),
        out_shape=jax.ShapeDtypeStruct((_T, _H), jnp.float32),
    )(w, y)

# --- scband reference (transcript-rebuilt; emitter-appended) ---
"""Pipeline reference for scband-expert-mlps-v2-18013092840056 (READ-ONLY COPY).

The authoritative reference and input builder live on the scoring server;
editing this copy changes nothing except your own understanding.
"""

import jax, jax.numpy as jnp
import numpy as np

E = 8
TOP_K = 2
H = 2048
I = 4096
T = 32


def setup_inputs(seed: int = 0) -> dict:
    key = jax.random.key(seed)
    k1, k2, k3, k4, k5 = jax.random.split(key, 5)
    hidden_states = jax.random.normal(k1, (T, H), dtype=jnp.float32)
    expert_affinities = jax.random.uniform(k2, (T, E), dtype=jnp.float32)
    expert_index = jax.random.randint(k3, (T, TOP_K), 0, E, dtype=jnp.int64)
    # Experts weights: fused gate+up projection (GLU) and down projection per expert
    gate_up_proj = jax.random.normal(k4, (E, H, 2 * I), dtype=jnp.float32) * 0.02
    down_proj = jax.random.normal(k5, (E, I, H), dtype=jnp.float32) * 0.02
    return {
        "hidden_states": hidden_states,
        "expert_affinities": expert_affinities,
        "expert_index": expert_index,
        "gate_up_proj": gate_up_proj,
        "down_proj": down_proj,
    }


def _get_expert_mask(expert_index, num_experts):
    # top_k-hot encoding, summed over the k chosen experts (matches torch loop)
    expert_range = jnp.arange(num_experts, dtype=jnp.float32)
    mask = jnp.zeros((expert_index.shape[0], num_experts), dtype=jnp.float32)
    for e in range(expert_index.shape[1]):
        mask = mask + (expert_index[:, e][:, None] == expert_range).astype(jnp.float32)
    return mask


def reference(hidden_states, expert_affinities, expert_index, gate_up_proj, down_proj):
    num_experts = expert_affinities.shape[1]
    expert_mask = _get_expert_mask(expert_index, num_experts)
    # mask out non-chosen experts, then L1-normalize over chosen experts
    aff_masked = jnp.where(expert_mask == 0, 0.0, expert_affinities)
    denom = jnp.maximum(jnp.sum(jnp.abs(aff_masked), axis=1, keepdims=True), 1e-12)
    aff_masked = aff_masked / denom
    # forward_all_experts: every token goes through every expert (GLU MLP)
    mlp_input = hidden_states  # early_expert_affinity_modulation = False
    gate_up = jnp.einsum("th,ehf->etf", mlp_input, gate_up_proj)  # (E, T, 2I)
    gate, up = jnp.split(gate_up, 2, axis=-1)
    inter = jax.nn.silu(gate) * up  # (E, T, I)
    mlp_output = jnp.einsum("eti,eih->eth", inter, down_proj)  # (E, T, H)
    # combine expert outputs weighted by masked affinities
    output = jnp.einsum("eth,te->th", mlp_output, aff_masked)
    return output

if __name__ == "__main__":
    import jax
    _d = setup_inputs()
    print(jax.jit(kernel)(*tuple(_d.values())))

</pallas_src>

<mosaic_0001>
#map = affine_map<(d0, d1) -> (0)>
module attributes {stable_mosaic.version = 14 : i64} {
  func.func @routing_sc(%arg0: i32, %arg1: i32, %arg2: memref<64xi32, #tpu.memory_space<hbm>>, %arg3: memref<256xf32, #tpu.memory_space<hbm>>, %arg4: memref<256xf32, #tpu.memory_space<hbm>>, %arg5: memref<16xi32, #tpu.memory_space<vmem>>, %arg6: memref<16xf32, #tpu.memory_space<vmem>>, %arg7: memref<16xf32, #tpu.memory_space<vmem>>, %arg8: memref<!tpu.dma_semaphore, #tpu.memory_space<semaphore_mem>>) attributes {dimension_semantics = [#tpu.dimension_semantics<core_parallel>, #tpu.dimension_semantics<subcore_parallel>], iteration_bounds = array<i64: 2, 16>, scalar_prefetch = 0 : i64, scratch_operands = 4 : i64, tpu.core_type = #tpu.core_type<sc_vector_subcore>, window_params = [{transform_indices = #map}, {transform_indices = #map}, {transform_indices = #map}]} {
    %mul3A = arith.constant 2 : i32
    %mul3A_0 = arith.muli %arg1, %mul3A : i32
    %add3A = arith.addi %mul3A_0, %arg0 : i32
    %lt3A = arith.constant 32 : i32
    %lt3A_1 = arith.cmpi slt, %add3A, %lt3A : i32
    %convert_element_type3A = arith.extui %lt3A_1 : i1 to i32
    %cond3A = arith.constant 0 : i32
    %cond3A_2 = arith.cmpi ne, %convert_element_type3A, %cond3A : i32
    scf.if %cond3A_2 {
      %jit3A = arith.constant 8 : i32
      %div3A = arith.divsi %add3A, %jit3A : i32
      %sign3A = arith.constant 0 : i32
      %sign3A_3 = arith.cmpi sgt, %add3A, %sign3A : i32
      %sign3A_4 = arith.extui %sign3A_3 : i1 to i32
      %sign3A_5 = arith.constant 0 : i32
      %sign3A_6 = arith.cmpi slt, %add3A, %sign3A_5 : i32
      %sign3A_7 = arith.extui %sign3A_6 : i1 to i32
      %sign3A_8 = arith.subi %sign3A_4, %sign3A_7 : i32
      %sign3A_9 = arith.constant 0 : i32
      %sign3A_10 = arith.cmpi sgt, %jit3A, %sign3A_9 : i32
      %sign3A_11 = arith.extui %sign3A_10 : i1 to i32
      %sign3A_12 = arith.constant 0 : i32
      %sign3A_13 = arith.cmpi slt, %jit3A, %sign3A_12 : i32
      %sign3A_14 = arith.extui %sign3A_13 : i1 to i32
      %sign3A_15 = arith.subi %sign3A_11, %sign3A_14 : i32
      %ne3A = arith.cmpi ne, %sign3A_8, %sign3A_15 : i32
      %rem3A = arith.remsi %add3A, %jit3A : i32
      %ne3A_16 = arith.constant 0 : i32
      %ne3A_17 = arith.cmpi ne, %rem3A, %ne3A_16 : i32
      %and3A = arith.andi %ne3A, %ne3A_17 : i1
      %sub3A = arith.constant 1 : i32
      %sub3A_18 = arith.subi %div3A, %sub3A : i32
      %select_n3A = arith.select %and3A, %sub3A_18, %div3A : i32
      %jit3A_19 = arith.constant 8 : i32
      %eq3A = arith.constant 0 : i32
      %eq3A_20 = arith.cmpi eq, %jit3A_19, %eq3A : i32
      %jit3A_21 = arith.constant 1 : i32
      %select_n3A_22 = arith.select %eq3A_20, %jit3A_21, %jit3A_19 : i32
      %rem3A_23 = arith.remsi %add3A, %select_n3A_22 : i32
      %ne3A_24 = arith.constant 0 : i32
      %ne3A_25 = arith.cmpi ne, %rem3A_23, %ne3A_24 : i32
      %lt3A_26 = arith.constant 0 : i32
      %lt3A_27 = arith.cmpi slt, %rem3A_23, %lt3A_26 : i32
      %lt3A_28 = arith.constant 0 : i32
      %lt3A_29 = arith.cmpi slt, %select_n3A_22, %lt3A_28 : i32
      %ne3A_30 = arith.xori %lt3A_27, %lt3A_29 : i1
      %and3A_31 = arith.andi %ne3A_30, %ne3A_25 : i1
      %add3A_32 = arith.addi %rem3A_23, %select_n3A_22 : i32
      %select_n3A_33 = arith.select %and3A_31, %add3A_32, %rem3A_23 : i32
      %mul3A_34 = arith.constant 2 : i32
      %mul3A_35 = arith.muli %mul3A_34, %select_n3A_33 : i32
      %jit3A_36 = arith.constant 2 : i32
      %eq3A_37 = arith.constant 0 : i32
      %eq3A_38 = arith.cmpi eq, %jit3A_36, %eq3A_37 : i32
      %jit3A_39 = arith.constant 1 : i32
      %select_n3A_40 = arith.select %eq3A_38, %jit3A_39, %jit3A_36 : i32
      %rem3A_41 = arith.remsi %add3A, %select_n3A_40 : i32
      %ne3A_42 = arith.constant 0 : i32
      %ne3A_43 = arith.cmpi ne, %rem3A_41, %ne3A_42 : i32
      %lt3A_44 = arith.constant 0 : i32
      %lt3A_45 = arith.cmpi slt, %rem3A_41, %lt3A_44 : i32
      %lt3A_46 = arith.constant 0 : i32
      %lt3A_47 = arith.cmpi slt, %select_n3A_40, %lt3A_46 : i32
      %ne3A_48 = arith.xori %lt3A_45, %lt3A_47 : i1
      %and3A_49 = arith.andi %ne3A_48, %ne3A_43 : i1
      %add3A_50 = arith.addi %rem3A_41, %select_n3A_40 : i32
      %select_n3A_51 = arith.select %and3A_49, %add3A_50, %rem3A_41 : i32
      %mul3A_52 = arith.constant 16 : i32
      %mul3A_53 = arith.muli %select_n3A, %mul3A_52 : i32
      %dma_start3A = tpu.memref_slice %arg2[%mul3A_53] : memref<64xi32, #tpu.memory_space<hbm>> -> memref<16xi32, #tpu.memory_space<hbm>>
      %dma_start3A_54 = tpu.memref_slice %arg2[%mul3A_53] : memref<64xi32, #tpu.memory_space<hbm>> -> memref<16xi32, #tpu.memory_space<hbm>>
      tpu.enqueue_dma source(%dma_start3A_54 : memref<16xi32, #tpu.memory_space<hbm>>) target(%arg5 : memref<16xi32, #tpu.memory_space<vmem>>) target_semaphore(%arg8 : memref<!tpu.dma_semaphore, #tpu.memory_space<semaphore_mem>>)
      %sub3A_55 = arith.subi %add3A, %select_n3A_51 : i32
      %mul3A_56 = arith.constant 8 : i32
      %mul3A_57 = arith.muli %sub3A_55, %mul3A_56 : i32
      %dma_start3A_58 = tpu.memref_slice %arg3[%mul3A_57] : memref<256xf32, #tpu.memory_space<hbm>> -> memref<16xf32, #tpu.memory_space<hbm>>
      %dma_start3A_59 = tpu.memref_slice %arg3[%mul3A_57] : memref<256xf32, #tpu.memory_space<hbm>> -> memref<16xf32, #tpu.memory_space<hbm>>
      tpu.enqueue_dma source(%dma_start3A_59 : memref<16xf32, #tpu.memory_space<hbm>>) target(%arg6 : memref<16xf32, #tpu.memory_space<vmem>>) target_semaphore(%arg8 : memref<!tpu.dma_semaphore, #tpu.memory_space<semaphore_mem>>)
      %dma_wait3A = tpu.memref_slice %arg2[%mul3A_53] : memref<64xi32, #tpu.memory_space<hbm>> -> memref<16xi32, #tpu.memory_space<hbm>>
      %dma_wait3A_60 = tpu.memref_slice %arg2[%mul3A_53] : memref<64xi32, #tpu.memory_space<hbm>> -> memref<16xi32, #tpu.memory_space<hbm>>
      tpu.wait_dma2 semaphore(%arg8 : memref<!tpu.dma_semaphore, #tpu.memory_space<semaphore_mem>>) src(%dma_wait3A_60 : memref<16xi32, #tpu.memory_space<hbm>>) dst(%arg5 : memref<16xi32, #tpu.memory_space<vmem>>)
      %dma_wait3A_61 = tpu.memref_slice %arg3[%mul3A_57] : memref<256xf32, #tpu.memory_space<hbm>> -> memref<16xf32, #tpu.memory_space<hbm>>
      %dma_wait3A_62 = tpu.memref_slice %arg3[%mul3A_57] : memref<256xf32, #tpu.memory_space<hbm>> -> memref<16xf32, #tpu.memory_space<hbm>>
      tpu.wait_dma2 semaphore(%arg8 : memref<!tpu.dma_semaphore, #tpu.memory_space<semaphore_mem>>) src(%dma_wait3A_62 : memref<16xf32, #tpu.memory_space<hbm>>) dst(%arg6 : memref<16xf32, #tpu.memory_space<vmem>>)
      %get3A = arith.constant 0 : index
      %get3A_63 = tpu.vector_load %arg5[%get3A] {strides = array<i32>} : memref<16xi32, #tpu.memory_space<vmem>>, vector<16xi32>,
      %iota3A = tpu.iota {dimensions = array<i32: 0>} : vector<16xi32>
      %jit3A_64 = arith.constant 8 : i32
      %eq3A_65 = arith.constant 0 : i32
      %eq3A_66 = arith.cmpi eq, %jit3A_64, %eq3A_65 : i32
      %jit3A_67 = arith.constant 1 : i32
      %select_n3A_68 = arith.select %eq3A_66, %jit3A_67, %jit3A_64 : i32
      %rem3A_69 = vector.broadcast %select_n3A_68 : i32 to vector<16xi32>
      %rem3A_70 = arith.remsi %iota3A, %rem3A_69 : vector<16xi32>
      %ne3A_71 = arith.constant 0 : i32
      %ne3A_72 = vector.broadcast %ne3A_71 : i32 to vector<16xi32>
      %ne3A_73 = arith.cmpi ne, %rem3A_70, %ne3A_72 : vector<16xi32>
      %lt3A_74 = arith.constant 0 : i32
      %lt3A_75 = vector.broadcast %lt3A_74 : i32 to vector<16xi32>
      %lt3A_76 = arith.cmpi slt, %rem3A_70, %lt3A_75 : vector<16xi32>
      %lt3A_77 = arith.constant 0 : i32
      %lt3A_78 = arith.cmpi slt, %select_n3A_68, %lt3A_77 : i32
      %ne3A_79 = vector.broadcast %lt3A_78 : i1 to vector<16xi1>
      %ne3A_80 = vector.broadcast %ne3A_79 : vector<16xi1> to vector<16xi1>
      %ne3A_81 = arith.xori %lt3A_76, %ne3A_80 : vector<16xi1>
      %and3A_82 = arith.andi %ne3A_81, %ne3A_73 : vector<16xi1>
      %add3A_83 = vector.broadcast %select_n3A_68 : i32 to vector<16xi32>
      %add3A_84 = arith.addi %rem3A_70, %add3A_83 : vector<16xi32>
      %select_n3A_85 = arith.select %and3A_82, %add3A_84, %rem3A_70 : vector<16xi1>, vector<16xi32>
      %jit3A_86 = arith.constant 8 : i32
      %div3A_87 = vector.broadcast %jit3A_86 : i32 to vector<16xi32>
      %div3A_88 = arith.divsi %iota3A, %div3A_87 : vector<16xi32>
      %sign3A_89 = arith.constant 0 : i32
      %sign3A_90 = vector.broadcast %sign3A_89 : i32 to vector<16xi32>
      %sign3A_91 = arith.cmpi sgt, %iota3A, %sign3A_90 : vector<16xi32>
      %sign3A_92 = arith.extui %sign3A_91 : vector<16xi1> to vector<16xi32>
      %sign3A_93 = arith.constant 0 : i32
      %sign3A_94 = vector.broadcast %sign3A_93 : i32 to vector<16xi32>
      %sign3A_95 = arith.cmpi slt, %iota3A, %sign3A_94 : vector<16xi32>
      %sign3A_96 = arith.extui %sign3A_95 : vector<16xi1> to vector<16xi32>
      %sign3A_97 = arith.subi %sign3A_92, %sign3A_96 : vector<16xi32>
      %sign3A_98 = arith.constant 0 : i32
      %sign3A_99 = arith.cmpi sgt, %jit3A_86, %sign3A_98 : i32
      %sign3A_100 = arith.extui %sign3A_99 : i1 to i32
      %sign3A_101 = arith.constant 0 : i32
      %sign3A_102 = arith.cmpi slt, %jit3A_86, %sign3A_101 : i32
      %sign3A_103 = arith.extui %sign3A_102 : i1 to i32
      %sign3A_104 = arith.subi %sign3A_100, %sign3A_103 : i32
      %ne3A_105 = vector.broadcast %sign3A_104 : i32 to vector<16xi32>
      %ne3A_106 = arith.cmpi ne, %sign3A_97, %ne3A_105 : vector<16xi32>
      %rem3A_107 = vector.broadcast %jit3A_86 : i32 to vector<16xi32>
      %rem3A_108 = arith.remsi %iota3A, %rem3A_107 : vector<16xi32>
      %ne3A_109 = arith.constant 0 : i32
      %ne3A_110 = vector.broadcast %ne3A_109 : i32 to vector<16xi32>
      %ne3A_111 = arith.cmpi ne, %rem3A_108, %ne3A_110 : vector<16xi32>
      %and3A_112 = arith.andi %ne3A_106, %ne3A_111 : vector<16xi1>
      %sub3A_113 = arith.constant 1 : i32
      %sub3A_114 = vector.broadcast %sub3A_113 : i32 to vector<16xi32>
      %sub3A_115 = arith.subi %div3A_88, %sub3A_114 : vector<16xi32>
      %select_n3A_116 = arith.select %and3A_112, %sub3A_115, %div3A_88 : vector<16xi1>, vector<16xi32>
      %eq3A_117 = vector.broadcast %select_n3A_51 : i32 to vector<16xi32>
      %eq3A_118 = arith.cmpi eq, %select_n3A_116, %eq3A_117 : vector<16xi32>
      %eq3A_119 = vector.broadcast %mul3A_35 : i32 to vector<16xi32>
      %eq3A_120 = arith.cmpi eq, %iota3A, %eq3A_119 : vector<16xi32>
      %jit3A_121 = arith.constant 0 : i32
      %broadcast_in_dim3A = vector.broadcast %jit3A_121 : i32 to vector<16xi32>
      %select_n3A_122 = arith.select %eq3A_120, %get3A_63, %broadcast_in_dim3A : vector<16xi1>, vector<16xi32>
      %reduce_sum3A = arith.constant true
      %reduce_sum3A_123 = vector.broadcast %reduce_sum3A : i1 to vector<16xi1>
      %reduce_sum3A_124 = tpu.scan <sum>, %select_n3A_122 masked %reduce_sum3A_123 : vector<16xi32>, vector<16xi1> -> vector<16xi32>
      %reduce_sum3A_125 = vector.extract %reduce_sum3A_124[15] : i32 from vector<16xi32>
      %add3A_126 = arith.constant 1 : i32
      %add3A_127 = arith.addi %mul3A_35, %add3A_126 : i32
      %eq3A_128 = vector.broadcast %add3A_127 : i32 to vector<16xi32>
      %eq3A_129 = arith.cmpi eq, %iota3A, %eq3A_128 : vector<16xi32>
      %jit3A_130 = arith.constant 0 : i32
      %broadcast_in_dim3A_131 = vector.broadcast %jit3A_130 : i32 to vector<16xi32>
      %select_n3A_132 = arith.select %eq3A_129, %get3A_63, %broadcast_in_dim3A_131 : vector<16xi1>, vector<16xi32>
      %reduce_sum3A_133 = arith.constant true
      %reduce_sum3A_134 = vector.broadcast %reduce_sum3A_133 : i1 to vector<16xi1>
      %reduce_sum3A_135 = tpu.scan <sum>, %select_n3A_132 masked %reduce_sum3A_134 : vector<16xi32>, vector<16xi1> -> vector<16xi32>
      %reduce_sum3A_136 = vector.extract %reduce_sum3A_135[15] : i32 from vector<16xi32>
      %eq3A_137 = vector.broadcast %reduce_sum3A_125 : i32 to vector<16xi32>
      %eq3A_138 = arith.cmpi eq, %eq3A_137, %select_n3A_85 : vector<16xi32>
      %eq3A_139 = vector.broadcast %reduce_sum3A_136 : i32 to vector<16xi32>
      %eq3A_140 = arith.cmpi eq, %eq3A_139, %select_n3A_85 : vector<16xi32>
      %or3A = arith.ori %eq3A_138, %eq3A_140 : vector<16xi1>
      %and3A_141 = arith.andi %or3A, %eq3A_118 : vector<16xi1>
      %get3A_142 = arith.constant 0 : index
      %get3A_143 = tpu.vector_load %arg6[%get3A_142] {strides = array<i32>} : memref<16xf32, #tpu.memory_space<vmem>>, vector<16xf32>,
      %jit3A_144 = arith.constant 0.000000e+00 : f32
      %broadcast_in_dim3A_145 = vector.broadcast %jit3A_144 : f32 to vector<16xf32>
      %select_n3A_146 = arith.select %and3A_141, %get3A_143, %broadcast_in_dim3A_145 : vector<16xi1>, vector<16xf32>
      %abs3A = math.absf %select_n3A_146 : vector<16xf32>
      %reduce_sum3A_147 = arith.constant true
      %reduce_sum3A_148 = vector.broadcast %reduce_sum3A_147 : i1 to vector<16xi1>
      %reduce_sum3A_149 = tpu.scan <sum>, %abs3A masked %reduce_sum3A_148 : vector<16xf32>, vector<16xi1> -> vector<16xf32>
      %reduce_sum3A_150 = vector.extract %reduce_sum3A_149[15] : f32 from vector<16xf32>
      %max3A = arith.constant 9.99999996E-13 : f32
      %max3A_151 = arith.maximumf %reduce_sum3A_150, %max3A : f32
      %div3A_152 = vector.broadcast %max3A_151 : f32 to vector<16xf32>
      %div3A_153 = arith.divf %select_n3A_146, %div3A_152 : vector<16xf32>
      %swap3A = arith.constant 0 : index
      %swap3A_154 = tpu.vector_load %arg7[%swap3A] {strides = array<i32>} : memref<16xf32, #tpu.memory_space<vmem>>, vector<16xf32>,
      tpu.vector_store %arg7[%swap3A], %div3A_153 {strides = array<i32>} : memref<16xf32, #tpu.memory_space<vmem>>, vector<16xf32>,
      %mul3A_155 = arith.constant 8 : i32
      %mul3A_156 = arith.muli %select_n3A_51, %mul3A_155 : i32
      %mul3A_157 = arith.constant 8 : i32
      %mul3A_158 = arith.muli %add3A, %mul3A_157 : i32
      "tpu.region"() ({
        %run_scoped3A = tpu.sem_alloc : memref<!tpu.dma_semaphore, #tpu.memory_space<semaphore_mem>>
        %dma_start3A_159 = tpu.memref_slice %arg7[%mul3A_156] : memref<16xf32, #tpu.memory_space<vmem>> -> memref<8xf32, #tpu.memory_space<vmem>>
        %dma_start3A_160 = tpu.memref_slice %arg4[%mul3A_158] : memref<256xf32, #tpu.memory_space<hbm>> -> memref<8xf32, #tpu.memory_space<hbm>>
        %dma_start3A_161 = tpu.memref_slice %arg4[%mul3A_158] : memref<256xf32, #tpu.memory_space<hbm>> -> memref<8xf32, #tpu.memory_space<hbm>>
        %dma_start3A_162 = tpu.memref_slice %arg7[%mul3A_156] : memref<16xf32, #tpu.memory_space<vmem>> -> memref<8xf32, #tpu.memory_space<vmem>>
        tpu.enqueue_dma source(%dma_start3A_162 : memref<8xf32, #tpu.memory_space<vmem>>) target(%dma_start3A_161 : memref<8xf32, #tpu.memory_space<hbm>>) target_semaphore(%run_scoped3A : memref<!tpu.dma_semaphore, #tpu.memory_space<semaphore_mem>>)
        %dma_wait3A_163 = tpu.memref_slice %arg7[%mul3A_156] : memref<16xf32, #tpu.memory_space<vmem>> -> memref<8xf32, #tpu.memory_space<vmem>>
        %dma_wait3A_164 = tpu.memref_slice %arg4[%mul3A_158] : memref<256xf32, #tpu.memory_space<hbm>> -> memref<8xf32, #tpu.memory_space<hbm>>
        %dma_wait3A_165 = tpu.memref_slice %arg4[%mul3A_158] : memref<256xf32, #tpu.memory_space<hbm>> -> memref<8xf32, #tpu.memory_space<hbm>>
        %dma_wait3A_166 = tpu.memref_slice %arg7[%mul3A_156] : memref<16xf32, #tpu.memory_space<vmem>> -> memref<8xf32, #tpu.memory_space<vmem>>
        tpu.wait_dma2 semaphore(%run_scoped3A : memref<!tpu.dma_semaphore, #tpu.memory_space<semaphore_mem>>) src(%dma_wait3A_166 : memref<8xf32, #tpu.memory_space<vmem>>) dst(%dma_wait3A_165 : memref<8xf32, #tpu.memory_space<hbm>>)
        tpu.yield
      }) : () -> ()
    } else {
    }
    return
  }
}

module attributes {stable_mosaic.version = 14 : i64} {
  func.func @_mlp_kernel(%arg0: i32, %arg1: i32, %arg2: memref<32x2048xf32, #tpu.memory_space<vmem>>, %arg3: memref<1x2048x512xf32, #tpu.memory_space<vmem>>, %arg4: memref<1x2048x512xf32, #tpu.memory_space<vmem>>, %arg5: memref<1x512x2048xf32, #tpu.memory_space<vmem>>, %arg6: memref<1x32x2048xf32, #tpu.memory_space<vmem>>) attributes {dimension_semantics = [#tpu.dimension_semantics<arbitrary>, #tpu.dimension_semantics<arbitrary>], iteration_bounds = array<i64: 8, 8>, scalar_prefetch = 0 : i64, scratch_operands = 0 : i64, tpu.core_type = #tpu.core_type<tc>, window_params = [{pipeline_mode = #tpu.pipeline_mode<synchronous>, transform_indices = @transform_0, window_bounds = array<i64: 32, 2048>}, {transform_indices = @transform_1, window_bounds = array<i64: 1, 2048, 512>}, {transform_indices = @transform_2, window_bounds = array<i64: 1, 2048, 512>}, {transform_indices = @transform_3, window_bounds = array<i64: 1, 512, 2048>}, {transform_indices = @transform_4, window_bounds = array<i64: 1, 32, 2048>}]} {
    %get3A = arith.constant 0 : index
    %get3A_0 = arith.constant 0 : index
    %get3A_1 = vector.load %arg2[%get3A, %get3A_0] : memref<32x2048xf32, #tpu.memory_space<vmem>>, vector<32x2048xf32>
    %get3A_2 = arith.constant 0 : index
    %get3A_3 = arith.constant 0 : index
    %get3A_4 = arith.constant 0 : index
    %get3A_5 = vector.load %arg3[%get3A_2, %get3A_3, %get3A_4] : memref<1x2048x512xf32, #tpu.memory_space<vmem>>, vector<1x2048x512xf32>
    %get3A_6 = vector.shape_cast %get3A_5 : vector<1x2048x512xf32> to vector<2048x512xf32>
    %dot_general3A = arith.constant dense<0.000000e+00> : vector<32x512xf32>
    %dot_general3A_7 = tpu.matmul %get3A_1, %get3A_6, %dot_general3A {dimension_numbers = #tpu.dot_dimension_numbers<[1], [0], [0], [1], [0, 0, 1, 1], [], []>, transpose_lhs_hint = false} : vector<32x2048xf32>, vector<2048x512xf32>, vector<32x512xf32> -> vector<32x512xf32>
    %get3A_8 = arith.constant 0 : index
    %get3A_9 = arith.constant 0 : index
    %get3A_10 = arith.constant 0 : index
    %get3A_11 = vector.load %arg4[%get3A_8, %get3A_9, %get3A_10] : memref<1x2048x512xf32, #tpu.memory_space<vmem>>, vector<1x2048x512xf32>
    %get3A_12 = vector.shape_cast %get3A_11 : vector<1x2048x512xf32> to vector<2048x512xf32>
    %dot_general3A_13 = arith.constant dense<0.000000e+00> : vector<32x512xf32>
    %dot_general3A_14 = tpu.matmul %get3A_1, %get3A_12, %dot_general3A_13 {dimension_numbers = #tpu.dot_dimension_numbers<[1], [0], [0], [1], [0, 0, 1, 1], [], []>, transpose_lhs_hint = false} : vector<32x2048xf32>, vector<2048x512xf32>, vector<32x512xf32> -> vector<32x512xf32>
    %logistic3A = arith.negf %dot_general3A_7 : vector<32x512xf32>
    %logistic3A_15 = math.exp %logistic3A : vector<32x512xf32>
    %logistic3A_16 = arith.constant 1.000000e+00 : f32
    %logistic3A_17 = vector.broadcast %logistic3A_16 : f32 to vector<32x512xf32>
    %logistic3A_18 = arith.addf %logistic3A_17, %logistic3A_15 : vector<32x512xf32>
    %logistic3A_19 = arith.divf %logistic3A_17, %logistic3A_18 : vector<32x512xf32>
    %mul3A = arith.mulf %dot_general3A_7, %logistic3A_19 : vector<32x512xf32>
    %mul3A_20 = arith.mulf %mul3A, %dot_general3A_14 : vector<32x512xf32>
    %get3A_21 = arith.constant 0 : index
    %get3A_22 = arith.constant 0 : index
    %get3A_23 = arith.constant 0 : index
    %get3A_24 = vector.load %arg5[%get3A_21, %get3A_22, %get3A_23] : memref<1x512x2048xf32, #tpu.memory_space<vmem>>, vector<1x512x2048xf32>
    %get3A_25 = vector.shape_cast %get3A_24 : vector<1x512x2048xf32> to vector<512x2048xf32>
    %dot_general3A_26 = arith.constant dense<0.000000e+00> : vector<32x2048xf32>
    %dot_general3A_27 = tpu.matmul %mul3A_20, %get3A_25, %dot_general3A_26 {dimension_numbers = #tpu.dot_dimension_numbers<[1], [0], [0], [1], [0, 0, 1, 1], [], []>, transpose_lhs_hint = false} : vector<32x512xf32>, vector<512x2048xf32>, vector<32x2048xf32> -> vector<32x2048xf32>
    %eq3A = arith.constant 0 : i32
    %eq3A_28 = arith.cmpi eq, %arg1, %eq3A : i32
    %convert_element_type3A = arith.extui %eq3A_28 : i1 to i32
    %cond3A = arith.constant 0 : i32
    %cond3A_29 = arith.cmpi ne, %convert_element_type3A, %cond3A : i32
    scf.if %cond3A_29 {
      %swap3A = arith.constant 0 : index
      %swap3A_34 = arith.constant 0 : index
      %swap3A_35 = arith.constant 0 : index
      %swap3A_36 = vector.load %arg6[%swap3A, %swap3A_34, %swap3A_35] : memref<1x32x2048xf32, #tpu.memory_space<vmem>>, vector<1x32x2048xf32>
      %swap3A_37 = vector.shape_cast %swap3A_36 : vector<1x32x2048xf32> to vector<32x2048xf32>
      %swap3A_38 = vector.shape_cast %dot_general3A_27 : vector<32x2048xf32> to vector<1x32x2048xf32>
      tpu.vector_store %arg6[%swap3A, %swap3A_34, %swap3A_35], %swap3A_38 {strides = array<i32>} : memref<1x32x2048xf32, #tpu.memory_space<vmem>>, vector<1x32x2048xf32>,
    } else {
    }
    %gt3A = arith.constant 0 : i32
    %gt3A_30 = arith.cmpi sgt, %arg1, %gt3A : i32
    %convert_element_type3A_31 = arith.extui %gt3A_30 : i1 to i32
    %cond3A_32 = arith.constant 0 : i32
    %cond3A_33 = arith.cmpi ne, %convert_element_type3A_31, %cond3A_32 : i32
    scf.if %cond3A_33 {
      %get3A_34 = arith.constant 0 : index
      %get3A_35 = arith.constant 0 : index
      %get3A_36 = arith.constant 0 : index
      %get3A_37 = vector.load %arg6[%get3A_34, %get3A_35, %get3A_36] : memref<1x32x2048xf32, #tpu.memory_space<vmem>>, vector<1x32x2048xf32>
      %get3A_38 = vector.shape_cast %get3A_37 : vector<1x32x2048xf32> to vector<32x2048xf32>
      %add3A = arith.addf %get3A_38, %dot_general3A_27 : vector<32x2048xf32>
      %swap3A = arith.constant 0 : index
      %swap3A_39 = arith.constant 0 : index
      %swap3A_40 = arith.constant 0 : index
      %swap3A_41 = vector.load %arg6[%swap3A, %swap3A_39, %swap3A_40] : memref<1x32x2048xf32, #tpu.memory_space<vmem>>, vector<1x32x2048xf32>
      %swap3A_42 = vector.shape_cast %swap3A_41 : vector<1x32x2048xf32> to vector<32x2048xf32>
      %swap3A_43 = vector.shape_cast %add3A : vector<32x2048xf32> to vector<1x32x2048xf32>
      tpu.vector_store %arg6[%swap3A, %swap3A_39, %swap3A_40], %swap3A_43 {strides = array<i32>} : memref<1x32x2048xf32, #tpu.memory_space<vmem>>, vector<1x32x2048xf32>,
    } else {
    }
    return
  }
  func.func @transform_0(%arg0: i32, %arg1: i32) -> (i32, i32) {
    %c0_i32 = arith.constant 0 : i32
    %c0_i32_0 = arith.constant 0 : i32
    %c0_i32_1 = arith.constant 0 : i32
    return %c0_i32, %c0_i32_0 : i32, i32
  }
  func.func @transform_1(%arg0: i32, %arg1: i32) -> (i32, i32, i32) {
    %c0_i32 = arith.constant 0 : i32
    %c0_i32_0 = arith.constant 0 : i32
    return %arg0, %c0_i32, %arg1 : i32, i32, i32
  }
  func.func @transform_2(%arg0: i32, %arg1: i32) -> (i32, i32, i32) {
    %add3A = arith.constant 8 : i32
    %add3A_0 = arith.addi %add3A, %arg1 : i32
    %c0_i32 = arith.constant 0 : i32
    %c0_i32_1 = arith.constant 0 : i32
    return %arg0, %c0_i32, %add3A_0 : i32, i32, i32
  }
  func.func @transform_3(%arg0: i32, %arg1: i32) -> (i32, i32, i32) {
    %c0_i32 = arith.constant 0 : i32
    %c0_i32_0 = arith.constant 0 : i32
    return %arg0, %arg1, %c0_i32 : i32, i32, i32
  }
  func.func @transform_4(%arg0: i32, %arg1: i32) -> (i32, i32, i32) {
    %c0_i32 = arith.constant 0 : i32
    %c0_i32_0 = arith.constant 0 : i32
    %c0_i32_1 = arith.constant 0 : i32
    return %arg0, %c0_i32, %c0_i32_0 : i32, i32, i32
  }
}

module attributes {stable_mosaic.version = 14 : i64} {
  func.func @_combine_kernel(%arg0: memref<32x8xf32, #tpu.memory_space<vmem>>, %arg1: memref<8x32x2048xf32, #tpu.memory_space<vmem>>, %arg2: memref<32x2048xf32, #tpu.memory_space<vmem>>) attributes {dimension_semantics = [], scalar_prefetch = 0 : i64, scratch_operands = 0 : i64, tpu.core_type = #tpu.core_type<tc>} {
    %get3A = arith.constant 0 : index
    %get3A_0 = arith.constant 0 : index
    %get3A_1 = vector.load %arg0[%get3A, %get3A_0] : memref<32x8xf32, #tpu.memory_space<vmem>>, vector<32x8xf32>
    %iota3A = tpu.iota {dimensions = array<i32: 1>} : vector<32x8xi32>
    %broadcast_in_dim3A = arith.constant 0.000000e+00 : f32
    %broadcast_in_dim3A_2 = vector.broadcast %broadcast_in_dim3A : f32 to vector<32x2048xf32>
    %eq3A = arith.constant 0 : i32
    %eq3A_3 = vector.broadcast %eq3A : i32 to vector<32x8xi32>
    %eq3A_4 = arith.cmpi eq, %iota3A, %eq3A_3 : vector<32x8xi32>
    %jit3A = arith.constant 0.000000e+00 : f32
    %broadcast_in_dim3A_5 = vector.broadcast %jit3A : f32 to vector<32x8xf32>
    %select_n3A = arith.select %eq3A_4, %get3A_1, %broadcast_in_dim3A_5 : vector<32x8xi1>, vector<32x8xf32>
    %reduce_sum3A = arith.constant dense<0.000000e+00> : vector<32xf32>
    %reduce_sum3A_6 = vector.multi_reduction <add>, %select_n3A, %reduce_sum3A [1] : vector<32x8xf32> to vector<32xf32>
    %broadcast_in_dim3A_7 = vector.shape_cast %reduce_sum3A_6 : vector<32xf32> to vector<32x1xf32>
    %get3A_8 = arith.constant 0 : index
    %get3A_9 = arith.constant 0 : index
    %get3A_10 = arith.constant 0 : index
    %get3A_11 = vector.load %arg1[%get3A_8, %get3A_9, %get3A_10] : memref<8x32x2048xf32, #tpu.memory_space<vmem>>, vector<1x32x2048xf32>
    %get3A_12 = vector.shape_cast %get3A_11 : vector<1x32x2048xf32> to vector<32x2048xf32>
    %mul3A = vector.broadcast %broadcast_in_dim3A_7 : vector<32x1xf32> to vector<32x2048xf32>
    %mul3A_13 = arith.mulf %get3A_12, %mul3A : vector<32x2048xf32>
    %add3A = arith.addf %broadcast_in_dim3A_2, %mul3A_13 : vector<32x2048xf32>
    %eq3A_14 = arith.constant 1 : i32
    %eq3A_15 = vector.broadcast %eq3A_14 : i32 to vector<32x8xi32>
    %eq3A_16 = arith.cmpi eq, %iota3A, %eq3A_15 : vector<32x8xi32>
    %jit3A_17 = arith.constant 0.000000e+00 : f32
    %broadcast_in_dim3A_18 = vector.broadcast %jit3A_17 : f32 to vector<32x8xf32>
    %select_n3A_19 = arith.select %eq3A_16, %get3A_1, %broadcast_in_dim3A_18 : vector<32x8xi1>, vector<32x8xf32>
    %reduce_sum3A_20 = arith.constant dense<0.000000e+00> : vector<32xf32>
    %reduce_sum3A_21 = vector.multi_reduction <add>, %select_n3A_19, %reduce_sum3A_20 [1] : vector<32x8xf32> to vector<32xf32>
    %broadcast_in_dim3A_22 = vector.shape_cast %reduce_sum3A_21 : vector<32xf32> to vector<32x1xf32>
    %get3A_23 = arith.constant 1 : index
    %get3A_24 = arith.constant 0 : index
    %get3A_25 = arith.constant 0 : index
    %get3A_26 = vector.load %arg1[%get3A_23, %get3A_24, %get3A_25] : memref<8x32x2048xf32, #tpu.memory_space<vmem>>, vector<1x32x2048xf32>
    %get3A_27 = vector.shape_cast %get3A_26 : vector<1x32x2048xf32> to vector<32x2048xf32>
    %mul3A_28 = vector.broadcast %broadcast_in_dim3A_22 : vector<32x1xf32> to vector<32x2048xf32>
    %mul3A_29 = arith.mulf %get3A_27, %mul3A_28 : vector<32x2048xf32>
    %add3A_30 = arith.addf %add3A, %mul3A_29 : vector<32x2048xf32>
    %eq3A_31 = arith.constant 2 : i32
    %eq3A_32 = vector.broadcast %eq3A_31 : i32 to vector<32x8xi32>
    %eq3A_33 = arith.cmpi eq, %iota3A, %eq3A_32 : vector<32x8xi32>
    %jit3A_34 = arith.constant 0.000000e+00 : f32
    %broadcast_in_dim3A_35 = vector.broadcast %jit3A_34 : f32 to vector<32x8xf32>
    %select_n3A_36 = arith.select %eq3A_33, %get3A_1, %broadcast_in_dim3A_35 : vector<32x8xi1>, vector<32x8xf32>
    %reduce_sum3A_37 = arith.constant dense<0.000000e+00> : vector<32xf32>
    %reduce_sum3A_38 = vector.multi_reduction <add>, %select_n3A_36, %reduce_sum3A_37 [1] : vector<32x8xf32> to vector<32xf32>
    %broadcast_in_dim3A_39 = vector.shape_cast %reduce_sum3A_38 : vector<32xf32> to vector<32x1xf32>
    %get3A_40 = arith.constant 2 : index
    %get3A_41 = arith.constant 0 : index
    %get3A_42 = arith.constant 0 : index
    %get3A_43 = vector.load %arg1[%get3A_40, %get3A_41, %get3A_42] : memref<8x32x2048xf32, #tpu.memory_space<vmem>>, vector<1x32x2048xf32>
    %get3A_44 = vector.shape_cast %get3A_43 : vector<1x32x2048xf32> to vector<32x2048xf32>
    %mul3A_45 = vector.broadcast %broadcast_in_dim3A_39 : vector<32x1xf32> to vector<32x2048xf32>
    %mul3A_46 = arith.mulf %get3A_44, %mul3A_45 : vector<32x2048xf32>
    %add3A_47 = arith.addf %add3A_30, %mul3A_46 : vector<32x2048xf32>
    %eq3A_48 = arith.constant 3 : i32
    %eq3A_49 = vector.broadcast %eq3A_48 : i32 to vector<32x8xi32>
    %eq3A_50 = arith.cmpi eq, %iota3A, %eq3A_49 : vector<32x8xi32>
    %jit3A_51 = arith.constant 0.000000e+00 : f32
    %broadcast_in_dim3A_52 = vector.broadcast %jit3A_51 : f32 to vector<32x8xf32>
    %select_n3A_53 = arith.select %eq3A_50, %get3A_1, %broadcast_in_dim3A_52 : vector<32x8xi1>, vector<32x8xf32>
    %reduce_sum3A_54 = arith.constant dense<0.000000e+00> : vector<32xf32>
    %reduce_sum3A_55 = vector.multi_reduction <add>, %select_n3A_53, %reduce_sum3A_54 [1] : vector<32x8xf32> to vector<32xf32>
    %broadcast_in_dim3A_56 = vector.shape_cast %reduce_sum3A_55 : vector<32xf32> to vector<32x1xf32>
    %get3A_57 = arith.constant 3 : index
    %get3A_58 = arith.constant 0 : index
    %get3A_59 = arith.constant 0 : index
    %get3A_60 = vector.load %arg1[%get3A_57, %get3A_58, %get3A_59] : memref<8x32x2048xf32, #tpu.memory_space<vmem>>, vector<1x32x2048xf32>
    %get3A_61 = vector.shape_cast %get3A_60 : vector<1x32x2048xf32> to vector<32x2048xf32>
    %mul3A_62 = vector.broadcast %broadcast_in_dim3A_56 : vector<32x1xf32> to vector<32x2048xf32>
    %mul3A_63 = arith.mulf %get3A_61, %mul3A_62 : vector<32x2048xf32>
    %add3A_64 = arith.addf %add3A_47, %mul3A_63 : vector<32x2048xf32>
    %eq3A_65 = arith.constant 4 : i32
    %eq3A_66 = vector.broadcast %eq3A_65 : i32 to vector<32x8xi32>
    %eq3A_67 = arith.cmpi eq, %iota3A, %eq3A_66 : vector<32x8xi32>
    %jit3A_68 = arith.constant 0.000000e+00 : f32
    %broadcast_in_dim3A_69 = vector.broadcast %jit3A_68 : f32 to vector<32x8xf32>
    %select_n3A_70 = arith.select %eq3A_67, %get3A_1, %broadcast_in_dim3A_69 : vector<32x8xi1>, vector<32x8xf32>
    %reduce_sum3A_71 = arith.constant dense<0.000000e+00> : vector<32xf32>
    %reduce_sum3A_72 = vector.multi_reduction <add>, %select_n3A_70, %reduce_sum3A_71 [1] : vector<32x8xf32> to vector<32xf32>
    %broadcast_in_dim3A_73 = vector.shape_cast %reduce_sum3A_72 : vector<32xf32> to vector<32x1xf32>
    %get3A_74 = arith.constant 4 : index
    %get3A_75 = arith.constant 0 : index
    %get3A_76 = arith.constant 0 : index
    %get3A_77 = vector.load %arg1[%get3A_74, %get3A_75, %get3A_76] : memref<8x32x2048xf32, #tpu.memory_space<vmem>>, vector<1x32x2048xf32>
    %get3A_78 = vector.shape_cast %get3A_77 : vector<1x32x2048xf32> to vector<32x2048xf32>
    %mul3A_79 = vector.broadcast %broadcast_in_dim3A_73 : vector<32x1xf32> to vector<32x2048xf32>
    %mul3A_80 = arith.mulf %get3A_78, %mul3A_79 : vector<32x2048xf32>
    %add3A_81 = arith.addf %add3A_64, %mul3A_80 : vector<32x2048xf32>
    %eq3A_82 = arith.constant 5 : i32
    %eq3A_83 = vector.broadcast %eq3A_82 : i32 to vector<32x8xi32>
    %eq3A_84 = arith.cmpi eq, %iota3A, %eq3A_83 : vector<32x8xi32>
    %jit3A_85 = arith.constant 0.000000e+00 : f32
    %broadcast_in_dim3A_86 = vector.broadcast %jit3A_85 : f32 to vector<32x8xf32>
    %select_n3A_87 = arith.select %eq3A_84, %get3A_1, %broadcast_in_dim3A_86 : vector<32x8xi1>, vector<32x8xf32>
    %reduce_sum3A_88 = arith.constant dense<0.000000e+00> : vector<32xf32>
    %reduce_sum3A_89 = vector.multi_reduction <add>, %select_n3A_87, %reduce_sum3A_88 [1] : vector<32x8xf32> to vector<32xf32>
    %broadcast_in_dim3A_90 = vector.shape_cast %reduce_sum3A_89 : vector<32xf32> to vector<32x1xf32>
    %get3A_91 = arith.constant 5 : index
    %get3A_92 = arith.constant 0 : index
    %get3A_93 = arith.constant 0 : index
    %get3A_94 = vector.load %arg1[%get3A_91, %get3A_92, %get3A_93] : memref<8x32x2048xf32, #tpu.memory_space<vmem>>, vector<1x32x2048xf32>
    %get3A_95 = vector.shape_cast %get3A_94 : vector<1x32x2048xf32> to vector<32x2048xf32>
    %mul3A_96 = vector.broadcast %broadcast_in_dim3A_90 : vector<32x1xf32> to vector<32x2048xf32>
    %mul3A_97 = arith.mulf %get3A_95, %mul3A_96 : vector<32x2048xf32>
    %add3A_98 = arith.addf %add3A_81, %mul3A_97 : vector<32x2048xf32>
    %eq3A_99 = arith.constant 6 : i32
    %eq3A_100 = vector.broadcast %eq3A_99 : i32 to vector<32x8xi32>
    %eq3A_101 = arith.cmpi eq, %iota3A, %eq3A_100 : vector<32x8xi32>
    %jit3A_102 = arith.constant 0.000000e+00 : f32
    %broadcast_in_dim3A_103 = vector.broadcast %jit3A_102 : f32 to vector<32x8xf32>
    %select_n3A_104 = arith.select %eq3A_101, %get3A_1, %broadcast_in_dim3A_103 : vector<32x8xi1>, vector<32x8xf32>
    %reduce_sum3A_105 = arith.constant dense<0.000000e+00> : vector<32xf32>
    %reduce_sum3A_106 = vector.multi_reduction <add>, %select_n3A_104, %reduce_sum3A_105 [1] : vector<32x8xf32> to vector<32xf32>
    %broadcast_in_dim3A_107 = vector.shape_cast %reduce_sum3A_106 : vector<32xf32> to vector<32x1xf32>
    %get3A_108 = arith.constant 6 : index
    %get3A_109 = arith.constant 0 : index
    %get3A_110 = arith.constant 0 : index
    %get3A_111 = vector.load %arg1[%get3A_108, %get3A_109, %get3A_110] : memref<8x32x2048xf32, #tpu.memory_space<vmem>>, vector<1x32x2048xf32>
    %get3A_112 = vector.shape_cast %get3A_111 : vector<1x32x2048xf32> to vector<32x2048xf32>
    %mul3A_113 = vector.broadcast %broadcast_in_dim3A_107 : vector<32x1xf32> to vector<32x2048xf32>
    %mul3A_114 = arith.mulf %get3A_112, %mul3A_113 : vector<32x2048xf32>
    %add3A_115 = arith.addf %add3A_98, %mul3A_114 : vector<32x2048xf32>
    %eq3A_116 = arith.constant 7 : i32
    %eq3A_117 = vector.broadcast %eq3A_116 : i32 to vector<32x8xi32>
    %eq3A_118 = arith.cmpi eq, %iota3A, %eq3A_117 : vector<32x8xi32>
    %jit3A_119 = arith.constant 0.000000e+00 : f32
    %broadcast_in_dim3A_120 = vector.broadcast %jit3A_119 : f32 to vector<32x8xf32>
    %select_n3A_121 = arith.select %eq3A_118, %get3A_1, %broadcast_in_dim3A_120 : vector<32x8xi1>, vector<32x8xf32>
    %reduce_sum3A_122 = arith.constant dense<0.000000e+00> : vector<32xf32>
    %reduce_sum3A_123 = vector.multi_reduction <add>, %select_n3A_121, %reduce_sum3A_122 [1] : vector<32x8xf32> to vector<32xf32>
    %broadcast_in_dim3A_124 = vector.shape_cast %reduce_sum3A_123 : vector<32xf32> to vector<32x1xf32>
    %get3A_125 = arith.constant 7 : index
    %get3A_126 = arith.constant 0 : index
    %get3A_127 = arith.constant 0 : index
    %get3A_128 = vector.load %arg1[%get3A_125, %get3A_126, %get3A_127] : memref<8x32x2048xf32, #tpu.memory_space<vmem>>, vector<1x32x2048xf32>
    %get3A_129 = vector.shape_cast %get3A_128 : vector<1x32x2048xf32> to vector<32x2048xf32>
    %mul3A_130 = vector.broadcast %broadcast_in_dim3A_124 : vector<32x1xf32> to vector<32x2048xf32>
    %mul3A_131 = arith.mulf %get3A_129, %mul3A_130 : vector<32x2048xf32>
    %add3A_132 = arith.addf %add3A_115, %mul3A_131 : vector<32x2048xf32>
    %swap3A = arith.constant 0 : index
    %swap3A_133 = arith.constant 0 : index
    %swap3A_134 = vector.load %arg2[%swap3A, %swap3A_133] : memref<32x2048xf32, #tpu.memory_space<vmem>>, vector<32x2048xf32>
    tpu.vector_store %arg2[%swap3A, %swap3A_133], %add3A_132 {strides = array<i32>} : memref<32x2048xf32, #tpu.memory_space<vmem>>, vector<32x2048xf32>,
    return
  }
}

</mosaic_0001>

<sc_bundles>
// kernel: kernel.5.cloned.1.call-start
scs
__scs_entry_jumppad:
0x0: {  	(pc) =	sbr.rel $0x88, $3  }
0x1: {  	(tag) =	ssettag $0x0;
	lr =	simm.s32 $0x1  }
0x2: {  	[smem:$0x3F9C] =	sst lr;
	_ =	strace $0xD0000000  }
0x3: {  	_ = 	snop  }
0x4: {  	_ = 	snop  }
0x5: {  	_ = 	snop  }
0x6: {  	_ = 	snop  }
0x7: {  	_ = 	snop  }
__scs_overlays_trampoline_lowered:
0x8: {  	[smem:$0x3FAB] =	sst s0  }
0x9: {  	[smem:$0x3FAC] =	sst s1  }
0xa: {  	[smem:$0x3FAD] =	sst s2  }
0xb: {  	[smem:$0x3FAE] =	sst s3  }
0xc: {  	[smem:$0x3FAF] =	sst s4  }
0xd: {  	[smem:$0x3FB0] =	sst s5  }
0xe: {  	[smem:$0x3FB1] =	sst s6  }
0xf: {  	[smem:$0x3FB2] =	sst s7  }
0x10: {  	[smem:$0x3FB3] =	sst s8  }
0x11: {  	[smem:$0x3FB4] =	sst s9;
	s0 =	simm.s32 @!p0 $0x0  }
0x12: {  	s1 =	sld [smem:$0x3F9A];
	s0 =	simm.s32 @p0 $0x1  }
0x13: {  	[smem:$0x3FB5] =	sst s0;
	s0 =	simm.s32 @!p1 $0x0  }
0x14: {  	s2 =	sld [smem:$0x3F99];
	s0 =	simm.s32 @p1 $0x1  }
0x15: {  	[smem:$0x3FB6] =	sst s0;
	s0 =	simm.s32 @!p2 $0x0  }
0x16: {  	s3 =	sld [smem:$0x3FDB];
	s0 =	simm.s32 @p2 $0x1  }
0x17: {  	s4 =	simm.s32 $0x1BF5;
	[smem:$0x3FB8] =	sst s0  }
0x18: {  	s0 =	sld [smem:$0x3F9B];
	_ =	swait.ge [sflag:s4], $0x0  }
0x19: {  	s7 =	sld [smem:$0x3F9C]  }
0x1a: {  	s8 =	sadd.s32 $0xFFFFE003, lr  }
0x1b: {  	s9 =	sadd.s32 $0xFFFFFEF7, lr;
	s5 =	simm.s32 $0xFFFFFFFF;
	p2 =	slt.u32 s8, $0xFFFFF086  }
0x1c: {  	p1 =	slt.u32 s9, $0xF7A;
	s5 =	simm.s32 @!p2 $0x0  }
0x1d: {  	s5 =	simm.s32 @p1 $0x1;
	p0 =	seq.s32 s7, s2  }
0x1e: {  	s7 =	smul.u32 @!p0 $0xF7A, s2;
	p2 =	seq.s32 @!p0 s5, $0x0  }
0x1f: {  	s9 =	smul.u32 $0xF7A, s1;
	s8 =	simm.s32 @!p0 $0x1BF5;
	p2 =	por !p2, p0  }
0x20: {  	[sflag:s8] =	ssyncset.s32 @!p0 $0xFFFFF086;
	s6 =	sadd.s32 @!p0 s3, s7;
	s7 =	simm.s32 @!p0 $0x108  }
0x21: {  	s3 =	sadd.s32 s3, s9;
	s6 =	sadd.s32 @!p0 $0x88, s6;
	s7 =	simm.s32 @p2 $0x1082  }
0x22: {  	[simem:s7], [sflag:s8] =	dma.local @!p0 [hbm:s6], $0xF7A  }
0x23: {  	s9 =	sor.u32 $0xD0000000, s2;
	s6 =	simm.s32 $0x108;
	_ =	swait.ge @!p0 [sflag:s8], $0x0  }
0x24: {  	s3 =	sadd.s32 $0x88, s3;
	s6 =	simm.s32 @!p1 $0x1082;
	[sflag:s4] =	ssyncset.s32 $0xFFFFF086  }
0x25: {  	[simem:s6], [sflag:s4] =	dma.local [hbm:s3], $0xF7A  }
0x26: {  	[smem:$0x3F9C] =	sst s1;
	(tag) =	ssettag s2;
	_ =	strace s9  }
0x27: {  	s1 =	sld [smem:$0x3FAC]  }
0x28: {  	s2 =	sld [smem:$0x3FAD]  }
0x29: {  	s4 =	sld [smem:$0x3FAF]  }
0x2a: {  	p0 =	seq.s32 s5, $0x0;
	s5 =	sld [smem:$0x3FB0]  }
0x2b: {  	s6 =	sld [smem:$0x3FB1]  }
0x2c: {  	s7 =	sld [smem:$0x3FB2]  }
0x2d: {  	s3 =	simm.s32 $0x108;
	s8 =	sld [smem:$0x3FB3]  }
0x2e: {  	s3 =	simm.s32 @!p0 $0x1082;
	s9 =	sld [smem:$0x3FB4]  }
0x2f: {  	lr =	sadd.s32 s0, s3;
	s0 =	sld [smem:$0x3FAB]  }
0x30: {  	s3 =	sld [smem:$0x3FAE]  }
0x31: {  	[smem:$0x3FB7] =	sst s10  }
0x32: {  	s10 =	sld [smem:$0x3FB5];
	_ =	sdelay $0x3  }
0x33: {  	p0 =	seq.s32 s10, $0x1;
	s10 =	sld [smem:$0x3FB7];
	_ =	sdelay $0x3  }
0x34: {  	[smem:$0x3FB7] =	sst s10  }
0x35: {  	s10 =	sld [smem:$0x3FB6];
	_ =	sdelay $0x3  }
0x36: {  	p1 =	seq.s32 s10, $0x1;
	s10 =	sld [smem:$0x3FB7];
	_ =	sdelay $0x3  }
0x37: {  	[smem:$0x3FB7] =	sst s10  }
0x38: {  	s10 =	sld [smem:$0x3FB8]  }
0x39: {  	_ = 	snop;
	(pc) =	sbr.ind lr, $3  }
0x3a: {  	_ = 	snop  }
0x3b: {  	_ = 	snop  }
0x3c: {  	p2 =	seq.s32 s10, $0x1;
	s10 =	sld [smem:$0x3FB7]  }
0x3d: {  	_ =	shalt  }
0x3e: {  	_ =	shalt  }
0x3f: {  	_ =	shalt  }
0x40: {  	_ =	shalt  }
0x41: {  	_ =	shalt  }
0x42: {  	_ =	shalt  }
0x43: {  	_ =	shalt  }
0x44: {  	_ =	shalt  }
0x45: {  	_ =	shalt  }
0x46: {  	_ =	shalt  }
0x47: {  	_ =	shalt  }
0x48: {  	_ =	shalt  }
0x49: {  	_ =	shalt  }
0x4a: {  	_ =	shalt  }
0x4b: {  	_ =	shalt  }
0x4c: {  	_ =	shalt  }
0x4d: {  	_ =	shalt  }
0x4e: {  	_ =	shalt  }
0x4f: {  	_ =	shalt  }
0x50: {  	_ =	shalt  }
0x51: {  	_ =	shalt  }
0x52: {  	_ =	shalt  }
0x53: {  	_ =	shalt  }
0x54: {  	_ =	shalt  }
0x55: {  	_ =	shalt  }
0x56: {  	_ =	shalt  }
0x57: {  	_ =	shalt  }
0x58: {  	_ =	shalt  }
0x59: {  	_ =	shalt  }
0x5a: {  	_ =	shalt  }
0x5b: {  	_ =	shalt  }
0x5c: {  	_ =	shalt  }
0x5d: {  	_ =	shalt  }
0x5e: {  	_ =	shalt  }
0x5f: {  	_ =	shalt  }
0x60: {  	_ =	shalt  }
0x61: {  	_ =	shalt  }
0x62: {  	_ =	shalt  }
0x63: {  	_ =	shalt  }
0x64: {  	_ =	shalt  }
0x65: {  	_ =	shalt  }
0x66: {  	_ =	shalt  }
0x67: {  	_ =	shalt  }
0x68: {  	_ =	shalt  }
0x69: {  	_ =	shalt  }
0x6a: {  	_ =	shalt  }
0x6b: {  	_ =	shalt  }
0x6c: {  	_ =	shalt  }
0x6d: {  	_ =	shalt  }
0x6e: {  	_ =	shalt  }
0x6f: {  	_ =	shalt  }
0x70: {  	_ =	shalt  }
0x71: {  	_ =	shalt  }
0x72: {  	_ =	shalt  }
0x73: {  	_ =	shalt  }
0x74: {  	_ =	shalt  }
0x75: {  	_ =	shalt  }
0x76: {  	_ =	shalt  }
0x77: {  	_ =	shalt  }
0x78: {  	_ =	shalt  }
0x79: {  	_ =	shalt  }
0x7a: {  	_ =	shalt  }
0x7b: {  	_ =	shalt  }
0x7c: {  	_ =	shalt  }
0x7d: {  	_ =	shalt  }
0x7e: {  	_ =	shalt  }
0x7f: {  	_ =	shalt  }
0x80: {  	_ =	shalt  }
0x81: {  	_ =	shalt  }
0x82: {  	_ =	shalt  }
0x83: {  	_ =	shalt  }
0x84: {  	_ =	shalt  }
0x85: {  	_ =	shalt  }
0x86: {  	_ =	shalt  }
0x87: {  	_ =	shalt  }
.Lfunc_end0:
.L_simem_size_0:
called_computation_lowered:
.L_overlay_start_0:
0x88: {  	s2 =	sld [smem:$0x3FD9]  }
0x89: {  	s3 =	sld [smem:$0x3FFE];
	_ =	sdelay $0x1  }
0x8a: {  	s1 =	srdreg.scid  }
0x8b: {  	s0 =	sand.u32 $0x1, s1  }
0x8c: {  	s17 =	sshll.u32 s0, $0xA;
	s2 =	sadd.s32 s3, s2  }
0x8d: {  	s2 =	sadd.s32 s2, s17  }
0x8e: {  	[smem:$0x3FC3] =	sst s2  }
0x8f: {  	_ = 	snop  }
0x90: {  	s2 =	sld [smem:$0x3FD0];
	(tm) =	ssettm $0x1  }
0x91: {  	s18 =	sld [smem:$0x3FFB];
	_ =	sdelay $0x3  }
0x92: {  	_ =	strace s18  }
0x93: {  	s3 =	sld [smem:$0x3FFC];
	_ =	sdelay $0x3  }
0x94: {  	_ =	strace s3  }
0x95: {  	s3 =	sld [smem:$0x3FFD];
	_ =	sdelay $0x3  }
0x96: {  	_ =	strace s3  }
0x97: {  	_ =	strace $0x8FFFFFFF  }
0x98: {  	s19 =	sld [smem:$0x3FDB];
	_ =	sdelay $0x1  }
0x99: {  	s4 =	simm.s32 $_scs_section_size  }
0x9a: {  	s5 =	simm.s32 $_size__tile_overlayer_lowered;
	s6 =	simm.s32 $_tile_overlayer_lowered  }
0x9b: {  	s22 =	simm.s32 $0x1BFF;
	s21 =	sshll.u32 s6, $0x1;
	s3 =	sadd.s32 s4, s19  }
0x9c: {  	s7 =	simm.s32 $0x0;
	s20 =	sshll.u32 s5, $0x1;
	s5 =	sadd.s32 s21, s3  }
0x9d: {  	[timem:s7], [sflag:s22] =	dma.local [hbm:s5], s20  }
0x9e: {  	_ =	swait.ge [sflag:s22], s20  }
0x9f: {  	s4 =	ssub.s32 $0x0, s20;
	[sflag:s22] =	ssyncset.done $0x0  }
0xa0: {  	[sflag:s22] =	ssyncadd.s32 s4;
	_ =	sdelay $0x1  }
0xa1: {  	s23 =	simm.s32 $0x1B8B  }
0xa2: {  	_ =	swait.ge [sflag:s23], $0x1  }
0xa3: {  	[sflag:s23] =	ssyncset.done $0x0  }
0xa4: {  	s25 =	simm.s32 $0x1B8E;
	s24 =	sld [smem:$0x3FFE];
	[sflag:s23] =	ssyncadd.s32 $0xFFFFFFFF  }
0xa5: {  	s26 =	simm.s32 $execute0_lowered;
	[smem:$0x3FD2] =	sst s25  }
0xa6: {  	s5 =	sshll.u32 s26, $0x1;
	_ =	strace $0x80000046;
	[dreg:$0x1] =	wrdreg $0xFFFFFFFF  }
0xa7: {  	s28 =	simm.s32 $_size_execute0_lowered;
	s3 =	sadd.s32 s3, s5;
	[dreg:$0x0] =	wrdreg $0x0  }
0xa8: {  	s5 =	sshll.u32 s28, $0x1;
	[dreg:$0x2] =	wrdreg s3  }
0xa9: {  	[dreg:$0x3] =	wrdreg s5  }
0xaa: {  	[dreg:$0x4] =	wrdreg $0xC0  }
0xab: {  	_ =	task [dreg:s7], $0x5FFFF  }
0xac: {  	[dreg:$0x1] =	wrdreg $0xFFFFFFFF  }
0xad: {  	[dreg:$0x0] =	wrdreg $0x60  }
0xae: {  	[dreg:$0x2] =	wrdreg s24  }
0xaf: {  	[dreg:$0x3] =	wrdreg s2  }
0xb0: {  	[dreg:$0x4] =	wrdreg $0x9  }
0xb1: {  	_ =	task.clear_ibuf [dreg:s7], $0x5FFFF;
	_ =	strace $0x90000046  }
0xb2: {  	s29 =	simm.s32 $0x9;
	_ =	strace $0x80000048  }
0xb3: {  	_ =	swait.ge [sflag:s29], $0x1  }
0xb4: {  	[sflag:s29] =	ssyncadd.s32 $0xFFFFFFFF  }
0xb5: {  	_ =	strace $0x90000048  }
0xb6: {  	_ =	sfence  }
0xb7: {  	s30 =	sld [smem:$0x0];
	_ =	sdelay $0x2  }
0xb8: {  	s31 =	sshll.u32 s1, $0xD;
	s1 =	sshrl.u32 s1, $0x2  }
0xb9: {  	s3 =	sand.u32 $0x4000, s31;
	s1 =	sadd.s32 s1, s30  }
0xba: {  	s0 =	sor.u32 s3, s0;
	s1 =	sshll.u32 s1, $0x11  }
0xbb: {  	s0 =	sor.u32 s1, s0  }
0xbc: {  	s0 =	sadd.s32 $0x8F2B, s0  }
0xbd: {  	[sflag:s0] =	ssyncadd.remote.s32 $0x1  }
0xbe: {  	_ =	sfence.sel $0xFFFF  }
0xbf: {  	[dreg:$0x0] =	wrdreg $0xFFFFFFFF;
	(pc) =	sbr.abs _section_cstart, $3  }
0xc0: {  	[dreg:$0x1] =	wrdreg $0xFFFFFFFF  }
0xc1: {  	_ =	task.clear_ibuf [dreg:s7], $0x2FFFF;
	_ =	strace $0x9FFFFFFF  }
0xc2: {  	(tm) =	ssettm $0x7FFFFFFF  }
0xc3: {  	_ =	shalt  }
tec
execute0_lowered:
.L_overlay_start_1:
0x0: {  	(tag) =	ssettag $0x1  }
0x1: {  	s7 =	rddreg [dreg:$0x0];
	s0 =	stileid.u32  }
0x2: {  	s4 =	rddreg [dreg:$0x1];
	s3 =	sshrl.u32 s0, $0x1  }
0x3: {  	s1 =	rddreg [dreg:$0x2];
	s2 =	simm.s32 $0x0;
	s3 =	sand.u32 $0x6, s3  }
0x4: {  	[smem:$0x7FF] =	sst s2;
	s3 =	sadd.s32 s3, s7  }
0x5: {  	s8 =	sshll.u32 s0, $0x1;
	_ =	strace $0x80000047;
	s3 =	sadd.s32 $0x600, s3  }
0x6: {  	[tilespmem:s2], [sflag:$0x1] =	stream.linear.gather [hbm4b:s3+s2], $0x10, $0x38;
	[tilespmem:$0x180] =	vst v63  }
0x7: {  	s5 =	simm.s32 $0x80;
	s6 =	simm.s32 $0x1;
	s4 =	sadd.s32 s4, s8  }
0x8: {  	[tilespmem:s5], [sflag:$0x1] =	stream.linear.gather [hbm4b:s4+s2], $0x10, $0x38;
	[tilespmem:$0x180] =	vst v63  }
0x9: {  	_ =	swait.ge [sflag:s6], $0x10  }
0xa: {  	[sflag:s6] =	ssyncset.done $0x0  }
0xb: {  	[sflag:s6] =	ssyncadd.s32 $0xFFFFFFF0  }
0xc: {  	_ =	swait.ge [sflag:s6], $0x10  }
0xd: {  	s9 =	srdreg.scid;
	[sflag:s6] =	ssyncset.done $0x0  }
0xe: {  	s9 =	sand.u32 $0x1, s9;
	[sflag:s6] =	ssyncadd.s32 $0xFFFFFFF0  }
0xf: {  	s8 =	sor.u32 s9, s8;
	v0 =	vld [tilespmem:$0x0]  }
0x10: {  	s10 =	sshll.u32 s8, $0x1  }
0x11: {  	s10 =	sand.u32 $0xE, s10  }
0x12: {  	v2 =	vlaneseq.u32;
	v1 =	vmov s10;
	s10 =	sor.u32 $0x1, s10  }
0x13: {  	v3 =	vmov s10;
	vm0 =	veq.s32 v1, v2  }
0x14: {  	vm1 =	veq.s32 v3, v2;
	v1 =	vnsel vm0, $0x0, v0  }
0x15: {  	v0 =	vnsel vm1, $0x0, v0;
	(xrf0) =	vadd.scan.msk.s32 $0xffff, v1  }
0x16: {  	(xrf0) =	vadd.scan.msk.s32 $0xffff, v0;
	_ =	sdelay $0x4  }
0x17: {  	v0, _, _ =	vpop (xrf0)  }
0x18: {  	v3, _, _ =	vpop (xrf0)  }
0x19: {  	v4 =	vld [tilespmem:$0x80];
	v1 =	vbroadcast v0, $0xF;
	v3 =	vbroadcast v3, $0xF  }
0x1a: {  	v0 =	vand.u32 $0x7, v2;
	v2 =	vshrl.u32 v2, $0x3  }
0x1b: {  	vm3 =	veq.s32 v1, v0;
	v1 =	vmov s9;
	vm4 =	veq.s32 v3, v0  }
0x1c: {  	vm2 =	veq.s32 v1, v2;
	vm3 =	vmor vm3, vm4  }
0x1d: {  	vm3 =	vmand vm2, vm3  }
0x1e: {  	v1 =	vnsel vm3, $0x0, v4  }
0x1f: {  	v2 =	vand.u32 $0x7FFFFFFF, v1  }
0x20: {  	(xrf2) =	vadd.scan.msk.f32 $0xffff, v2;
	_ =	sdelay $0x9  }
0x21: {  	v2, _, _ =	vpop (xrf2)  }
0x22: {  	(v2sf) =	vpush v2, $0xF;
	_ =	sdelay $0xe  }
0x23: {  	s29 =	spop (v2sf)  }
0x24: {  	s10 =	smax.f32 s29, $9.999999960e-13  }
0x25: {  	v2 =	vmov s10  }
0x26: {  	(erf) = vrcp.f32 v2;
	_ =	sdelay $0x4  }
0x27: {  	s30 =	ssub.s32 $0x2, s9  }
0x28: {  	s11 =	sshrl.u32 s30, $0x1  }
0x29: {  	s10 =	ssub.s32 s30, s11  }
0x2a: {  	s10 =	smax.u32 s10, $0x1  }
0x2b: {  	p0 =	sne.s32 s10, $0x1;
	v2 =	vpop (erf)  }
.Ltmp0:
0x2c: {  	v1 =	vmul.f32 v2, v1;
	(pc) =	sbr.rel @!p0 .LBB2_2-.Ltmp0, $4  }
0x2d: {  	s31 =	sshll.u32 s9, $0x3;
	s7 =	sadd.s32 s8, s7  }
0x2e: {  	s8 =	sor.u32 $0x100, s31;
	s7 =	sadd.s32 $0x800, s7;
	s9 =	simm.s32 $0x2;
	[tilespmem:$0x100] =	vst v1  }
0x2f: {  	[hbm4b:s7+s2] =	stream.linear.scatter [tilespmem:s8], [sflag:$0x2], $0x8, $0x38;
	[tilespmem:$0x180] =	vst v63  }
0x30: {  	s10 =	sadd.s32 $0xFFFFFFFF, s10;
	_ =	swait.ge [sflag:s9], $0x8  }
.LBB2_1:
0x31: {  	p0 =	sne.s32 s10, $0x1;
	s10 =	sadd.s32 $0xFFFFFFFF, s10;
	[sflag:s9] =	ssyncset.done $0x0  }
0x32: {  	[sflag:s9] =	ssyncadd.s32 $0xFFFFFFF8  }
0x33: {  	[tilespmem:s2], [sflag:$0x1] =	stream.linear.gather [hbm4b:s3+s2], $0x10, $0x38;
	[tilespmem:$0x180] =	vst v63  }
0x34: {  	_ = 	snop  }
0x35: {  	[tilespmem:s5], [sflag:$0x1] =	stream.linear.gather [hbm4b:s4+s2], $0x10, $0x38;
	[tilespmem:$0x180] =	vst v63  }
0x36: {  	_ =	swait.ge [sflag:s6], $0x10  }
0x37: {  	[sflag:s6] =	ssyncset.done $0x0  }
0x38: {  	[sflag:s6] =	ssyncadd.s32 $0xFFFFFFF0  }
0x39: {  	_ =	swait.ge [sflag:s6], $0x10  }
0x3a: {  	[sflag:s6] =	ssyncset.done $0x0  }
0x3b: {  	[sflag:s6] =	ssyncadd.s32 $0xFFFFFFF0  }
0x3c: {  	v1 =	vld [tilespmem:$0x0];
	_ =	sdelay $0x4  }
0x3d: {  	v2 =	vnsel vm0, $0x0, v1;
	v1 =	vnsel vm1, $0x0, v1  }
0x3e: {  	(xrf0) =	vadd.scan.msk.s32 $0xffff, v2  }
0x3f: {  	(xrf0) =	vadd.scan.msk.s32 $0xffff, v1;
	_ =	sdelay $0x4  }
0x40: {  	v1, _, _ =	vpop (xrf0)  }
0x41: {  	v1 =	vbroadcast v1, $0xF;
	v2 =	vld [tilespmem:$0x80];
	v3, _, _ =	vpop (xrf0)  }
0x42: {  	v3 =	vbroadcast v3, $0xF  }
0x43: {  	vm3 =	veq.s32 v1, v0  }
0x44: {  	vm4 =	veq.s32 v3, v0  }
0x45: {  	vm3 =	vmor vm3, vm4  }
0x46: {  	vm3 =	vmand vm2, vm3  }
0x47: {  	v1 =	vnsel vm3, $0x0, v2  }
0x48: {  	v2 =	vand.u32 $0x7FFFFFFF, v1  }
0x49: {  	(xrf2) =	vadd.scan.msk.f32 $0xffff, v2;
	_ =	sdelay $0x9  }
0x4a: {  	v2, _, _ =	vpop (xrf2)  }
0x4b: {  	(v2sf) =	vpush v2, $0xF;
	_ =	sdelay $0xe  }
0x4c: {  	s11 =	spop (v2sf)  }
0x4d: {  	s11 =	smax.f32 s11, $9.999999960e-13  }
0x4e: {  	v2 =	vmov s11  }
0x4f: {  	(erf) = vrcp.f32 v2;
	_ =	sdelay $0x8  }
0x50: {  	v2 =	vpop (erf)  }
.Ltmp1:
0x51: {  	v1 =	vmul.f32 v2, v1;
	(pc) =	sbr.rel @p0 .LBB2_1-.Ltmp1, $4  }
0x52: {  	_ = 	snop  }
0x53: {  	[tilespmem:$0x100] =	vst v1  }
0x54: {  	[hbm4b:s7+s2] =	stream.linear.scatter [tilespmem:s8], [sflag:$0x2], $0x8, $0x38;
	[tilespmem:$0x180] =	vst v63  }
0x55: {  	_ =	swait.ge [sflag:s9], $0x8  }
.LBB2_2:
0x56: {  	[sflag:s9] =	ssyncset.done $0x0  }
0x57: {  	[sflag:s9] =	ssyncadd.s32 $0xFFFFFFF8  }
0x58: {  	_ =	sfence.sel $0x180000  }
0x59: {  	[bflag:$0x0] =	sbarrier.arrive $0xFFFF  }
0x5a: {  	p0 =	sne.s32 s0, $0x0;
	_ =	strace $0x90000047  }
0x5b: {  	s0 =	sadd.s32 @!p0 $0x100000, s1;
	[bflag:$0x2] =	sbarrier.arrive $0xFFFF  }
0x5c: {  	[sflag:s0] =	ssyncadd.tile.s32 @!p0 $0x1;
	_ =	shalt  }
.Lfunc_end2:
_tile_overlayer_lowered:
.L_overlay_start_2:
0x5d: {  	(tag) =	ssettag $0x2  }
0x5e: {  	s0 =	rddreg [dreg:$0x0];
	s2 =	stileid.u32  }
0x5f: {  	s1 =	rddreg [dreg:$0x1];
	p0 =	sne.s32 s2, $0x0  }
0x60: {  	s3 =	rddreg [dreg:$0x2];
	[bflag:$0x3] =	sbarrier.arrive $0xFFFF;
	s2 =	simm.s32 @!p0 $0x1C02  }
0x61: {  	[timem:s3], [sflag:s2] =	dma.local @!p0 [hbm:s0], s1  }
0x62: {  	s0 =	simm.s32 @!p0 $0x2  }
0x63: {  	_ =	swait.ge @!p0 [sflag:s0], s1  }
0x64: {  	s1 =	ssub.s32 @!p0 $0x0, s1;
	[sflag:s0] =	ssyncset.done @!p0 $0x0  }
0x65: {  	[sflag:s0] =	ssyncadd.s32 @!p0 s1  }
0x66: {  	[bflag:$0x3] =	sbarrier.arrive $0xFFFF  }
0x67: {  	_ =	shalt  }

</sc_bundles>
